<compile_context>
chip_gen: v7x
topology: tpu7x:2x2x1
jax: 0.10.2.dev20260603
libtpu: 0.0.44.dev20260713+nightly
codegen_flags: <defaults>
</compile_context>

<pallas_src>
import functools

import jax
import jax.numpy as jnp
from jax import lax
from jax.experimental import pallas as pl
from jax.experimental.pallas import tpu as pltpu
from jax.experimental.pallas import tpu_sc as plsc

BATCH = 16384
DIM = 32
NUM_CORES = 2
NUM_SUBCORES = 16
NW = NUM_CORES * NUM_SUBCORES
B_PER_W = BATCH // NW
NBUF = 8


def _gather_body(x_hbm, tt_hbm, out_hbm, idx_v, blocks_v, rows_v, sems):
    wid = lax.axis_index("s") * NUM_CORES + lax.axis_index("c")
    pltpu.sync_copy(x_hbm.at[wid], idx_v.at[pl.ds(0, B_PER_W)])

    fvec0 = lax.iota(jnp.int32, 16)
    fvec1 = fvec0 + 16

    def fetch(i, slot):
        idx = idx_v[pl.ds(i, 16)][0]
        col = pl.multiple_of((idx >> 7) * 128, 128)
        return pltpu.async_copy(
            tt_hbm.at[:, pl.ds(col, 128)], blocks_v.at[slot], sems.at[slot]
        )

    for b in range(NBUF):
        fetch(b, b)

    def per_index(i, carry):
        slot = lax.rem(i, NBUF)
        pltpu.make_async_copy(
            tt_hbm.at[:, pl.ds(0, 128)], blocks_v.at[slot], sems.at[slot]
        ).wait()
        lane = jnp.broadcast_to(idx_v[pl.ds(i, 16)][0] & 127, (16,))
        col0 = plsc.load_gather(blocks_v.at[slot], [fvec0, lane])
        col1 = plsc.load_gather(blocks_v.at[slot], [fvec1, lane])
        rows_v[i, pl.ds(0, 16)] = col0
        rows_v[i, pl.ds(16, 16)] = col1

        @pl.when(i + NBUF < B_PER_W)
        def _():
            fetch(i + NBUF, slot)

        return carry

    lax.fori_loop(0, B_PER_W, per_index, 0)
    pltpu.sync_copy(rows_v, out_hbm.at[wid])


@jax.jit
def _embedding_gather(x2, table_t):
    mesh = plsc.VectorSubcoreMesh(core_axis_name="c", subcore_axis_name="s")
    k = functools.partial(
        pl.kernel,
        mesh=mesh,
        out_type=jax.ShapeDtypeStruct((NW, B_PER_W, DIM), jnp.float32),
        scratch_types=[
            pltpu.VMEM((B_PER_W + 16,), jnp.int32),
            pltpu.VMEM((NBUF, DIM, 128), jnp.float32),
            pltpu.VMEM((B_PER_W, DIM), jnp.float32),
            pltpu.SemaphoreType.DMA((NBUF,)),
        ],
        compiler_params=pltpu.CompilerParams(needs_layout_passes=False),
    )(_gather_body)
    return k(x2, table_t)


def kernel(x, table):
    x2 = x.astype(jnp.int32).reshape(NW, B_PER_W)
    out = _embedding_gather(x2, table.T)
    return out.reshape(BATCH, DIM)

# --- scband reference (transcript-rebuilt; emitter-appended) ---
"""Pipeline reference for scband-categorical-embedding-19516331393814 (READ-ONLY COPY).

The authoritative reference and input builder live on the scoring server;
editing this copy changes nothing except your own understanding.
"""

import jax, jax.numpy as jnp
import numpy as np

NUM_CATEGORIES = 1000000
EMBEDDING_DIM = 32
BATCH = 16384

def setup_inputs(seed: int = 0) -> dict:
    key = jax.random.key(seed)
    k_idx, k_tab = jax.random.split(key)
    x = jax.random.randint(k_idx, (BATCH,), 0, NUM_CATEGORIES, dtype=jnp.int64 if jax.config.jax_enable_x64 else jnp.int32)
    table = jax.random.normal(k_tab, (NUM_CATEGORIES, EMBEDDING_DIM), dtype=jnp.float32)
    return {"x": x, "table": table}

def reference(x, table):
    # phi_j(x_j) = W[x_j]  -- plain embedding gather
    return jnp.take(table, x, axis=0)

if __name__ == "__main__":
    import jax
    _d = setup_inputs()
    print(jax.jit(kernel)(*tuple(_d.values())))

</pallas_src>

<mosaic_0001>
#map = affine_map<(d0, d1) -> (0, 0)>
#map1 = affine_map<(d0, d1) -> (0, 0, 0)>
module attributes {stable_mosaic.version = 14 : i64} {
  func.func @_gather_body(%arg0: i32, %arg1: i32, %arg2: memref<32x512xi32, #tpu.memory_space<hbm>>, %arg3: memref<32x1000000xf32, #tpu.memory_space<hbm>>, %arg4: memref<32x512x32xf32, #tpu.memory_space<hbm>>, %arg5: memref<528xi32, #tpu.memory_space<vmem>>, %arg6: memref<8x32x128xf32, #tpu.memory_space<vmem>>, %arg7: memref<512x32xf32, #tpu.memory_space<vmem>>, %arg8: memref<8x!tpu.dma_semaphore, #tpu.memory_space<semaphore_mem>>) attributes {dimension_semantics = [#tpu.dimension_semantics<core_parallel>, #tpu.dimension_semantics<subcore_parallel>], iteration_bounds = array<i64: 2, 16>, scalar_prefetch = 0 : i64, scratch_operands = 4 : i64, tpu.core_type = #tpu.core_type<sc_vector_subcore>, window_params = [{transform_indices = #map}, {transform_indices = #map}, {transform_indices = #map1}]} {
    %mul3A = arith.constant 2 : i32
    %mul3A_0 = arith.muli %arg1, %mul3A : i32
    %add3A = arith.addi %mul3A_0, %arg0 : i32
    "tpu.region"() ({
      %run_scoped3A = tpu.sem_alloc : memref<!tpu.dma_semaphore, #tpu.memory_space<semaphore_mem>>
      %dma_start3A_203 = arith.constant 0 : i32
      %dma_start3A_204 = tpu.memref_slice %arg5[%dma_start3A_203] : memref<528xi32, #tpu.memory_space<vmem>> -> memref<512xi32, #tpu.memory_space<vmem>>
      %dma_start3A_205 = arith.constant 0 : i32
      %dma_start3A_206 = tpu.memref_slice %arg2[%add3A, %dma_start3A_205] : memref<32x512xi32, #tpu.memory_space<hbm>> -> memref<1x512xi32, #tpu.memory_space<hbm>>
      %dma_start3A_207 = tpu.memref_squeeze %dma_start3A_206 : memref<1x512xi32, #tpu.memory_space<hbm>> -> memref<512xi32, #tpu.memory_space<hbm>>
      %dma_start3A_208 = arith.constant 0 : i32
      %dma_start3A_209 = tpu.memref_slice %arg5[%dma_start3A_208] : memref<528xi32, #tpu.memory_space<vmem>> -> memref<512xi32, #tpu.memory_space<vmem>>
      %dma_start3A_210 = arith.constant 0 : i32
      %dma_start3A_211 = tpu.memref_slice %arg2[%add3A, %dma_start3A_210] : memref<32x512xi32, #tpu.memory_space<hbm>> -> memref<1x512xi32, #tpu.memory_space<hbm>>
      %dma_start3A_212 = tpu.memref_squeeze %dma_start3A_211 : memref<1x512xi32, #tpu.memory_space<hbm>> -> memref<512xi32, #tpu.memory_space<hbm>>
      tpu.enqueue_dma source(%dma_start3A_212 : memref<512xi32, #tpu.memory_space<hbm>>) target(%dma_start3A_209 : memref<512xi32, #tpu.memory_space<vmem>>) target_semaphore(%run_scoped3A : memref<!tpu.dma_semaphore, #tpu.memory_space<semaphore_mem>>)
      %dma_wait3A = arith.constant 0 : i32
      %dma_wait3A_213 = tpu.memref_slice %arg5[%dma_wait3A] : memref<528xi32, #tpu.memory_space<vmem>> -> memref<512xi32, #tpu.memory_space<vmem>>
      %dma_wait3A_214 = arith.constant 0 : i32
      %dma_wait3A_215 = tpu.memref_slice %arg2[%add3A, %dma_wait3A_214] : memref<32x512xi32, #tpu.memory_space<hbm>> -> memref<1x512xi32, #tpu.memory_space<hbm>>
      %dma_wait3A_216 = tpu.memref_squeeze %dma_wait3A_215 : memref<1x512xi32, #tpu.memory_space<hbm>> -> memref<512xi32, #tpu.memory_space<hbm>>
      %dma_wait3A_217 = arith.constant 0 : i32
      %dma_wait3A_218 = tpu.memref_slice %arg5[%dma_wait3A_217] : memref<528xi32, #tpu.memory_space<vmem>> -> memref<512xi32, #tpu.memory_space<vmem>>
      %dma_wait3A_219 = arith.constant 0 : i32
      %dma_wait3A_220 = tpu.memref_slice %arg2[%add3A, %dma_wait3A_219] : memref<32x512xi32, #tpu.memory_space<hbm>> -> memref<1x512xi32, #tpu.memory_space<hbm>>
      %dma_wait3A_221 = tpu.memref_squeeze %dma_wait3A_220 : memref<1x512xi32, #tpu.memory_space<hbm>> -> memref<512xi32, #tpu.memory_space<hbm>>
      tpu.wait_dma2 semaphore(%run_scoped3A : memref<!tpu.dma_semaphore, #tpu.memory_space<semaphore_mem>>) src(%dma_wait3A_221 : memref<512xi32, #tpu.memory_space<hbm>>) dst(%dma_wait3A_218 : memref<512xi32, #tpu.memory_space<vmem>>)
      tpu.yield
    }) : () -> ()
    %iota3A = tpu.iota {dimensions = array<i32: 0>} : vector<16xi32>
    %add3A_1 = arith.constant 16 : i32
    %add3A_2 = vector.broadcast %add3A_1 : i32 to vector<16xi32>
    %add3A_3 = arith.addi %iota3A, %add3A_2 : vector<16xi32>
    %get3A = arith.constant 0 : index
    %get3A_4 = tpu.vector_load %arg5[%get3A] {strides = array<i32>} : memref<528xi32, #tpu.memory_space<vmem>>, vector<16xi32>,
    %slice3A = vector.extract_strided_slice %get3A_4 {offsets = [0], sizes = [1], strides = [1]} : vector<16xi32> to vector<1xi32>
    %squeeze3A = vector.extract %slice3A[0] : i32 from vector<1xi32>
    %shift_right_arithmetic3A = arith.constant 7 : i32
    %shift_right_arithmetic3A_5 = arith.shrsi %squeeze3A, %shift_right_arithmetic3A : i32
    %mul3A_6 = arith.constant 128 : i32
    %mul3A_7 = arith.muli %shift_right_arithmetic3A_5, %mul3A_6 : i32
    %multiple_of3A = tpu.assume_multiple %mul3A_7, 128 : i32
    %dma_start3A = arith.constant 0 : i32
    %dma_start3A_8 = arith.constant 0 : i32
    %dma_start3A_9 = arith.constant 0 : i32
    %dma_start3A_10 = arith.constant 0 : i32
    %dma_start3A_11 = tpu.memref_slice %arg6[%dma_start3A, %dma_start3A_9, %dma_start3A_10] : memref<8x32x128xf32, #tpu.memory_space<vmem>> -> memref<1x32x128xf32, #tpu.memory_space<vmem>>
    %dma_start3A_12 = tpu.memref_squeeze %dma_start3A_11 : memref<1x32x128xf32, #tpu.memory_space<vmem>> -> memref<32x128xf32, #tpu.memory_space<vmem>>
    %dma_start3A_13 = arith.constant 0 : i32
    %dma_start3A_14 = tpu.memref_slice %arg3[%dma_start3A_13, %multiple_of3A] : memref<32x1000000xf32, #tpu.memory_space<hbm>> -> memref<32x128xf32, #tpu.memory_space<hbm>>
    %dma_start3A_15 = tpu.memref_slice %arg8[%dma_start3A_8] : memref<8x!tpu.dma_semaphore, #tpu.memory_space<semaphore_mem>> -> memref<1x!tpu.dma_semaphore, #tpu.memory_space<semaphore_mem>>
    %dma_start3A_16 = tpu.memref_squeeze %dma_start3A_15 : memref<1x!tpu.dma_semaphore, #tpu.memory_space<semaphore_mem>> -> memref<!tpu.dma_semaphore, #tpu.memory_space<semaphore_mem>>
    %dma_start3A_17 = arith.constant 0 : i32
    %dma_start3A_18 = arith.constant 0 : i32
    %dma_start3A_19 = tpu.memref_slice %arg6[%dma_start3A, %dma_start3A_17, %dma_start3A_18] : memref<8x32x128xf32, #tpu.memory_space<vmem>> -> memref<1x32x128xf32, #tpu.memory_space<vmem>>
    %dma_start3A_20 = tpu.memref_squeeze %dma_start3A_19 : memref<1x32x128xf32, #tpu.memory_space<vmem>> -> memref<32x128xf32, #tpu.memory_space<vmem>>
    %dma_start3A_21 = arith.constant 0 : i32
    %dma_start3A_22 = tpu.memref_slice %arg3[%dma_start3A_21, %multiple_of3A] : memref<32x1000000xf32, #tpu.memory_space<hbm>> -> memref<32x128xf32, #tpu.memory_space<hbm>>
    tpu.enqueue_dma source(%dma_start3A_22 : memref<32x128xf32, #tpu.memory_space<hbm>>) target(%dma_start3A_20 : memref<32x128xf32, #tpu.memory_space<vmem>>) target_semaphore(%dma_start3A_16 : memref<!tpu.dma_semaphore, #tpu.memory_space<semaphore_mem>>)
    %get3A_23 = arith.constant 1 : index
    %get3A_24 = tpu.vector_load %arg5[%get3A_23] {strides = array<i32>} : memref<528xi32, #tpu.memory_space<vmem>>, vector<16xi32>,
    %slice3A_25 = vector.extract_strided_slice %get3A_24 {offsets = [0], sizes = [1], strides = [1]} : vector<16xi32> to vector<1xi32>
    %squeeze3A_26 = vector.extract %slice3A_25[0] : i32 from vector<1xi32>
    %shift_right_arithmetic3A_27 = arith.constant 7 : i32
    %shift_right_arithmetic3A_28 = arith.shrsi %squeeze3A_26, %shift_right_arithmetic3A_27 : i32
    %mul3A_29 = arith.constant 128 : i32
    %mul3A_30 = arith.muli %shift_right_arithmetic3A_28, %mul3A_29 : i32
    %multiple_of3A_31 = tpu.assume_multiple %mul3A_30, 128 : i32
    %dma_start3A_32 = arith.constant 1 : i32
    %dma_start3A_33 = arith.constant 1 : i32
    %dma_start3A_34 = arith.constant 0 : i32
    %dma_start3A_35 = arith.constant 0 : i32
    %dma_start3A_36 = tpu.memref_slice %arg6[%dma_start3A_32, %dma_start3A_34, %dma_start3A_35] : memref<8x32x128xf32, #tpu.memory_space<vmem>> -> memref<1x32x128xf32, #tpu.memory_space<vmem>>
    %dma_start3A_37 = tpu.memref_squeeze %dma_start3A_36 : memref<1x32x128xf32, #tpu.memory_space<vmem>> -> memref<32x128xf32, #tpu.memory_space<vmem>>
    %dma_start3A_38 = arith.constant 0 : i32
    %dma_start3A_39 = tpu.memref_slice %arg3[%dma_start3A_38, %multiple_of3A_31] : memref<32x1000000xf32, #tpu.memory_space<hbm>> -> memref<32x128xf32, #tpu.memory_space<hbm>>
    %dma_start3A_40 = tpu.memref_slice %arg8[%dma_start3A_33] : memref<8x!tpu.dma_semaphore, #tpu.memory_space<semaphore_mem>> -> memref<1x!tpu.dma_semaphore, #tpu.memory_space<semaphore_mem>>
    %dma_start3A_41 = tpu.memref_squeeze %dma_start3A_40 : memref<1x!tpu.dma_semaphore, #tpu.memory_space<semaphore_mem>> -> memref<!tpu.dma_semaphore, #tpu.memory_space<semaphore_mem>>
    %dma_start3A_42 = arith.constant 0 : i32
    %dma_start3A_43 = arith.constant 0 : i32
    %dma_start3A_44 = tpu.memref_slice %arg6[%dma_start3A_32, %dma_start3A_42, %dma_start3A_43] : memref<8x32x128xf32, #tpu.memory_space<vmem>> -> memref<1x32x128xf32, #tpu.memory_space<vmem>>
    %dma_start3A_45 = tpu.memref_squeeze %dma_start3A_44 : memref<1x32x128xf32, #tpu.memory_space<vmem>> -> memref<32x128xf32, #tpu.memory_space<vmem>>
    %dma_start3A_46 = arith.constant 0 : i32
    %dma_start3A_47 = tpu.memref_slice %arg3[%dma_start3A_46, %multiple_of3A_31] : memref<32x1000000xf32, #tpu.memory_space<hbm>> -> memref<32x128xf32, #tpu.memory_space<hbm>>
    tpu.enqueue_dma source(%dma_start3A_47 : memref<32x128xf32, #tpu.memory_space<hbm>>) target(%dma_start3A_45 : memref<32x128xf32, #tpu.memory_space<vmem>>) target_semaphore(%dma_start3A_41 : memref<!tpu.dma_semaphore, #tpu.memory_space<semaphore_mem>>)
    %get3A_48 = arith.constant 2 : index
    %get3A_49 = tpu.vector_load %arg5[%get3A_48] {strides = array<i32>} : memref<528xi32, #tpu.memory_space<vmem>>, vector<16xi32>,
    %slice3A_50 = vector.extract_strided_slice %get3A_49 {offsets = [0], sizes = [1], strides = [1]} : vector<16xi32> to vector<1xi32>
    %squeeze3A_51 = vector.extract %slice3A_50[0] : i32 from vector<1xi32>
    %shift_right_arithmetic3A_52 = arith.constant 7 : i32
    %shift_right_arithmetic3A_53 = arith.shrsi %squeeze3A_51, %shift_right_arithmetic3A_52 : i32
    %mul3A_54 = arith.constant 128 : i32
    %mul3A_55 = arith.muli %shift_right_arithmetic3A_53, %mul3A_54 : i32
    %multiple_of3A_56 = tpu.assume_multiple %mul3A_55, 128 : i32
    %dma_start3A_57 = arith.constant 2 : i32
    %dma_start3A_58 = arith.constant 2 : i32
    %dma_start3A_59 = arith.constant 0 : i32
    %dma_start3A_60 = arith.constant 0 : i32
    %dma_start3A_61 = tpu.memref_slice %arg6[%dma_start3A_57, %dma_start3A_59, %dma_start3A_60] : memref<8x32x128xf32, #tpu.memory_space<vmem>> -> memref<1x32x128xf32, #tpu.memory_space<vmem>>
    %dma_start3A_62 = tpu.memref_squeeze %dma_start3A_61 : memref<1x32x128xf32, #tpu.memory_space<vmem>> -> memref<32x128xf32, #tpu.memory_space<vmem>>
    %dma_start3A_63 = arith.constant 0 : i32
    %dma_start3A_64 = tpu.memref_slice %arg3[%dma_start3A_63, %multiple_of3A_56] : memref<32x1000000xf32, #tpu.memory_space<hbm>> -> memref<32x128xf32, #tpu.memory_space<hbm>>
    %dma_start3A_65 = tpu.memref_slice %arg8[%dma_start3A_58] : memref<8x!tpu.dma_semaphore, #tpu.memory_space<semaphore_mem>> -> memref<1x!tpu.dma_semaphore, #tpu.memory_space<semaphore_mem>>
    %dma_start3A_66 = tpu.memref_squeeze %dma_start3A_65 : memref<1x!tpu.dma_semaphore, #tpu.memory_space<semaphore_mem>> -> memref<!tpu.dma_semaphore, #tpu.memory_space<semaphore_mem>>
    %dma_start3A_67 = arith.constant 0 : i32
    %dma_start3A_68 = arith.constant 0 : i32
    %dma_start3A_69 = tpu.memref_slice %arg6[%dma_start3A_57, %dma_start3A_67, %dma_start3A_68] : memref<8x32x128xf32, #tpu.memory_space<vmem>> -> memref<1x32x128xf32, #tpu.memory_space<vmem>>
    %dma_start3A_70 = tpu.memref_squeeze %dma_start3A_69 : memref<1x32x128xf32, #tpu.memory_space<vmem>> -> memref<32x128xf32, #tpu.memory_space<vmem>>
    %dma_start3A_71 = arith.constant 0 : i32
    %dma_start3A_72 = tpu.memref_slice %arg3[%dma_start3A_71, %multiple_of3A_56] : memref<32x1000000xf32, #tpu.memory_space<hbm>> -> memref<32x128xf32, #tpu.memory_space<hbm>>
    tpu.enqueue_dma source(%dma_start3A_72 : memref<32x128xf32, #tpu.memory_space<hbm>>) target(%dma_start3A_70 : memref<32x128xf32, #tpu.memory_space<vmem>>) target_semaphore(%dma_start3A_66 : memref<!tpu.dma_semaphore, #tpu.memory_space<semaphore_mem>>)
    %get3A_73 = arith.constant 3 : index
    %get3A_74 = tpu.vector_load %arg5[%get3A_73] {strides = array<i32>} : memref<528xi32, #tpu.memory_space<vmem>>, vector<16xi32>,
    %slice3A_75 = vector.extract_strided_slice %get3A_74 {offsets = [0], sizes = [1], strides = [1]} : vector<16xi32> to vector<1xi32>
    %squeeze3A_76 = vector.extract %slice3A_75[0] : i32 from vector<1xi32>
    %shift_right_arithmetic3A_77 = arith.constant 7 : i32
    %shift_right_arithmetic3A_78 = arith.shrsi %squeeze3A_76, %shift_right_arithmetic3A_77 : i32
    %mul3A_79 = arith.constant 128 : i32
    %mul3A_80 = arith.muli %shift_right_arithmetic3A_78, %mul3A_79 : i32
    %multiple_of3A_81 = tpu.assume_multiple %mul3A_80, 128 : i32
    %dma_start3A_82 = arith.constant 3 : i32
    %dma_start3A_83 = arith.constant 3 : i32
    %dma_start3A_84 = arith.constant 0 : i32
    %dma_start3A_85 = arith.constant 0 : i32
    %dma_start3A_86 = tpu.memref_slice %arg6[%dma_start3A_82, %dma_start3A_84, %dma_start3A_85] : memref<8x32x128xf32, #tpu.memory_space<vmem>> -> memref<1x32x128xf32, #tpu.memory_space<vmem>>
    %dma_start3A_87 = tpu.memref_squeeze %dma_start3A_86 : memref<1x32x128xf32, #tpu.memory_space<vmem>> -> memref<32x128xf32, #tpu.memory_space<vmem>>
    %dma_start3A_88 = arith.constant 0 : i32
    %dma_start3A_89 = tpu.memref_slice %arg3[%dma_start3A_88, %multiple_of3A_81] : memref<32x1000000xf32, #tpu.memory_space<hbm>> -> memref<32x128xf32, #tpu.memory_space<hbm>>
    %dma_start3A_90 = tpu.memref_slice %arg8[%dma_start3A_83] : memref<8x!tpu.dma_semaphore, #tpu.memory_space<semaphore_mem>> -> memref<1x!tpu.dma_semaphore, #tpu.memory_space<semaphore_mem>>
    %dma_start3A_91 = tpu.memref_squeeze %dma_start3A_90 : memref<1x!tpu.dma_semaphore, #tpu.memory_space<semaphore_mem>> -> memref<!tpu.dma_semaphore, #tpu.memory_space<semaphore_mem>>
    %dma_start3A_92 = arith.constant 0 : i32
    %dma_start3A_93 = arith.constant 0 : i32
    %dma_start3A_94 = tpu.memref_slice %arg6[%dma_start3A_82, %dma_start3A_92, %dma_start3A_93] : memref<8x32x128xf32, #tpu.memory_space<vmem>> -> memref<1x32x128xf32, #tpu.memory_space<vmem>>
    %dma_start3A_95 = tpu.memref_squeeze %dma_start3A_94 : memref<1x32x128xf32, #tpu.memory_space<vmem>> -> memref<32x128xf32, #tpu.memory_space<vmem>>
    %dma_start3A_96 = arith.constant 0 : i32
    %dma_start3A_97 = tpu.memref_slice %arg3[%dma_start3A_96, %multiple_of3A_81] : memref<32x1000000xf32, #tpu.memory_space<hbm>> -> memref<32x128xf32, #tpu.memory_space<hbm>>
    tpu.enqueue_dma source(%dma_start3A_97 : memref<32x128xf32, #tpu.memory_space<hbm>>) target(%dma_start3A_95 : memref<32x128xf32, #tpu.memory_space<vmem>>) target_semaphore(%dma_start3A_91 : memref<!tpu.dma_semaphore, #tpu.memory_space<semaphore_mem>>)
    %get3A_98 = arith.constant 4 : index
    %get3A_99 = tpu.vector_load %arg5[%get3A_98] {strides = array<i32>} : memref<528xi32, #tpu.memory_space<vmem>>, vector<16xi32>,
    %slice3A_100 = vector.extract_strided_slice %get3A_99 {offsets = [0], sizes = [1], strides = [1]} : vector<16xi32> to vector<1xi32>
    %squeeze3A_101 = vector.extract %slice3A_100[0] : i32 from vector<1xi32>
    %shift_right_arithmetic3A_102 = arith.constant 7 : i32
    %shift_right_arithmetic3A_103 = arith.shrsi %squeeze3A_101, %shift_right_arithmetic3A_102 : i32
    %mul3A_104 = arith.constant 128 : i32
    %mul3A_105 = arith.muli %shift_right_arithmetic3A_103, %mul3A_104 : i32
    %multiple_of3A_106 = tpu.assume_multiple %mul3A_105, 128 : i32
    %dma_start3A_107 = arith.constant 4 : i32
    %dma_start3A_108 = arith.constant 4 : i32
    %dma_start3A_109 = arith.constant 0 : i32
    %dma_start3A_110 = arith.constant 0 : i32
    %dma_start3A_111 = tpu.memref_slice %arg6[%dma_start3A_107, %dma_start3A_109, %dma_start3A_110] : memref<8x32x128xf32, #tpu.memory_space<vmem>> -> memref<1x32x128xf32, #tpu.memory_space<vmem>>
    %dma_start3A_112 = tpu.memref_squeeze %dma_start3A_111 : memref<1x32x128xf32, #tpu.memory_space<vmem>> -> memref<32x128xf32, #tpu.memory_space<vmem>>
    %dma_start3A_113 = arith.constant 0 : i32
    %dma_start3A_114 = tpu.memref_slice %arg3[%dma_start3A_113, %multiple_of3A_106] : memref<32x1000000xf32, #tpu.memory_space<hbm>> -> memref<32x128xf32, #tpu.memory_space<hbm>>
    %dma_start3A_115 = tpu.memref_slice %arg8[%dma_start3A_108] : memref<8x!tpu.dma_semaphore, #tpu.memory_space<semaphore_mem>> -> memref<1x!tpu.dma_semaphore, #tpu.memory_space<semaphore_mem>>
    %dma_start3A_116 = tpu.memref_squeeze %dma_start3A_115 : memref<1x!tpu.dma_semaphore, #tpu.memory_space<semaphore_mem>> -> memref<!tpu.dma_semaphore, #tpu.memory_space<semaphore_mem>>
    %dma_start3A_117 = arith.constant 0 : i32
    %dma_start3A_118 = arith.constant 0 : i32
    %dma_start3A_119 = tpu.memref_slice %arg6[%dma_start3A_107, %dma_start3A_117, %dma_start3A_118] : memref<8x32x128xf32, #tpu.memory_space<vmem>> -> memref<1x32x128xf32, #tpu.memory_space<vmem>>
    %dma_start3A_120 = tpu.memref_squeeze %dma_start3A_119 : memref<1x32x128xf32, #tpu.memory_space<vmem>> -> memref<32x128xf32, #tpu.memory_space<vmem>>
    %dma_start3A_121 = arith.constant 0 : i32
    %dma_start3A_122 = tpu.memref_slice %arg3[%dma_start3A_121, %multiple_of3A_106] : memref<32x1000000xf32, #tpu.memory_space<hbm>> -> memref<32x128xf32, #tpu.memory_space<hbm>>
    tpu.enqueue_dma source(%dma_start3A_122 : memref<32x128xf32, #tpu.memory_space<hbm>>) target(%dma_start3A_120 : memref<32x128xf32, #tpu.memory_space<vmem>>) target_semaphore(%dma_start3A_116 : memref<!tpu.dma_semaphore, #tpu.memory_space<semaphore_mem>>)
    %get3A_123 = arith.constant 5 : index
    %get3A_124 = tpu.vector_load %arg5[%get3A_123] {strides = array<i32>} : memref<528xi32, #tpu.memory_space<vmem>>, vector<16xi32>,
    %slice3A_125 = vector.extract_strided_slice %get3A_124 {offsets = [0], sizes = [1], strides = [1]} : vector<16xi32> to vector<1xi32>
    %squeeze3A_126 = vector.extract %slice3A_125[0] : i32 from vector<1xi32>
    %shift_right_arithmetic3A_127 = arith.constant 7 : i32
    %shift_right_arithmetic3A_128 = arith.shrsi %squeeze3A_126, %shift_right_arithmetic3A_127 : i32
    %mul3A_129 = arith.constant 128 : i32
    %mul3A_130 = arith.muli %shift_right_arithmetic3A_128, %mul3A_129 : i32
    %multiple_of3A_131 = tpu.assume_multiple %mul3A_130, 128 : i32
    %dma_start3A_132 = arith.constant 5 : i32
    %dma_start3A_133 = arith.constant 5 : i32
    %dma_start3A_134 = arith.constant 0 : i32
    %dma_start3A_135 = arith.constant 0 : i32
    %dma_start3A_136 = tpu.memref_slice %arg6[%dma_start3A_132, %dma_start3A_134, %dma_start3A_135] : memref<8x32x128xf32, #tpu.memory_space<vmem>> -> memref<1x32x128xf32, #tpu.memory_space<vmem>>
    %dma_start3A_137 = tpu.memref_squeeze %dma_start3A_136 : memref<1x32x128xf32, #tpu.memory_space<vmem>> -> memref<32x128xf32, #tpu.memory_space<vmem>>
    %dma_start3A_138 = arith.constant 0 : i32
    %dma_start3A_139 = tpu.memref_slice %arg3[%dma_start3A_138, %multiple_of3A_131] : memref<32x1000000xf32, #tpu.memory_space<hbm>> -> memref<32x128xf32, #tpu.memory_space<hbm>>
    %dma_start3A_140 = tpu.memref_slice %arg8[%dma_start3A_133] : memref<8x!tpu.dma_semaphore, #tpu.memory_space<semaphore_mem>> -> memref<1x!tpu.dma_semaphore, #tpu.memory_space<semaphore_mem>>
    %dma_start3A_141 = tpu.memref_squeeze %dma_start3A_140 : memref<1x!tpu.dma_semaphore, #tpu.memory_space<semaphore_mem>> -> memref<!tpu.dma_semaphore, #tpu.memory_space<semaphore_mem>>
    %dma_start3A_142 = arith.constant 0 : i32
    %dma_start3A_143 = arith.constant 0 : i32
    %dma_start3A_144 = tpu.memref_slice %arg6[%dma_start3A_132, %dma_start3A_142, %dma_start3A_143] : memref<8x32x128xf32, #tpu.memory_space<vmem>> -> memref<1x32x128xf32, #tpu.memory_space<vmem>>
    %dma_start3A_145 = tpu.memref_squeeze %dma_start3A_144 : memref<1x32x128xf32, #tpu.memory_space<vmem>> -> memref<32x128xf32, #tpu.memory_space<vmem>>
    %dma_start3A_146 = arith.constant 0 : i32
    %dma_start3A_147 = tpu.memref_slice %arg3[%dma_start3A_146, %multiple_of3A_131] : memref<32x1000000xf32, #tpu.memory_space<hbm>> -> memref<32x128xf32, #tpu.memory_space<hbm>>
    tpu.enqueue_dma source(%dma_start3A_147 : memref<32x128xf32, #tpu.memory_space<hbm>>) target(%dma_start3A_145 : memref<32x128xf32, #tpu.memory_space<vmem>>) target_semaphore(%dma_start3A_141 : memref<!tpu.dma_semaphore, #tpu.memory_space<semaphore_mem>>)
    %get3A_148 = arith.constant 6 : index
    %get3A_149 = tpu.vector_load %arg5[%get3A_148] {strides = array<i32>} : memref<528xi32, #tpu.memory_space<vmem>>, vector<16xi32>,
    %slice3A_150 = vector.extract_strided_slice %get3A_149 {offsets = [0], sizes = [1], strides = [1]} : vector<16xi32> to vector<1xi32>
    %squeeze3A_151 = vector.extract %slice3A_150[0] : i32 from vector<1xi32>
    %shift_right_arithmetic3A_152 = arith.constant 7 : i32
    %shift_right_arithmetic3A_153 = arith.shrsi %squeeze3A_151, %shift_right_arithmetic3A_152 : i32
    %mul3A_154 = arith.constant 128 : i32
    %mul3A_155 = arith.muli %shift_right_arithmetic3A_153, %mul3A_154 : i32
    %multiple_of3A_156 = tpu.assume_multiple %mul3A_155, 128 : i32
    %dma_start3A_157 = arith.constant 6 : i32
    %dma_start3A_158 = arith.constant 6 : i32
    %dma_start3A_159 = arith.constant 0 : i32
    %dma_start3A_160 = arith.constant 0 : i32
    %dma_start3A_161 = tpu.memref_slice %arg6[%dma_start3A_157, %dma_start3A_159, %dma_start3A_160] : memref<8x32x128xf32, #tpu.memory_space<vmem>> -> memref<1x32x128xf32, #tpu.memory_space<vmem>>
    %dma_start3A_162 = tpu.memref_squeeze %dma_start3A_161 : memref<1x32x128xf32, #tpu.memory_space<vmem>> -> memref<32x128xf32, #tpu.memory_space<vmem>>
    %dma_start3A_163 = arith.constant 0 : i32
    %dma_start3A_164 = tpu.memref_slice %arg3[%dma_start3A_163, %multiple_of3A_156] : memref<32x1000000xf32, #tpu.memory_space<hbm>> -> memref<32x128xf32, #tpu.memory_space<hbm>>
    %dma_start3A_165 = tpu.memref_slice %arg8[%dma_start3A_158] : memref<8x!tpu.dma_semaphore, #tpu.memory_space<semaphore_mem>> -> memref<1x!tpu.dma_semaphore, #tpu.memory_space<semaphore_mem>>
    %dma_start3A_166 = tpu.memref_squeeze %dma_start3A_165 : memref<1x!tpu.dma_semaphore, #tpu.memory_space<semaphore_mem>> -> memref<!tpu.dma_semaphore, #tpu.memory_space<semaphore_mem>>
    %dma_start3A_167 = arith.constant 0 : i32
    %dma_start3A_168 = arith.constant 0 : i32
    %dma_start3A_169 = tpu.memref_slice %arg6[%dma_start3A_157, %dma_start3A_167, %dma_start3A_168] : memref<8x32x128xf32, #tpu.memory_space<vmem>> -> memref<1x32x128xf32, #tpu.memory_space<vmem>>
    %dma_start3A_170 = tpu.memref_squeeze %dma_start3A_169 : memref<1x32x128xf32, #tpu.memory_space<vmem>> -> memref<32x128xf32, #tpu.memory_space<vmem>>
    %dma_start3A_171 = arith.constant 0 : i32
    %dma_start3A_172 = tpu.memref_slice %arg3[%dma_start3A_171, %multiple_of3A_156] : memref<32x1000000xf32, #tpu.memory_space<hbm>> -> memref<32x128xf32, #tpu.memory_space<hbm>>
    tpu.enqueue_dma source(%dma_start3A_172 : memref<32x128xf32, #tpu.memory_space<hbm>>) target(%dma_start3A_170 : memref<32x128xf32, #tpu.memory_space<vmem>>) target_semaphore(%dma_start3A_166 : memref<!tpu.dma_semaphore, #tpu.memory_space<semaphore_mem>>)
    %get3A_173 = arith.constant 7 : index
    %get3A_174 = tpu.vector_load %arg5[%get3A_173] {strides = array<i32>} : memref<528xi32, #tpu.memory_space<vmem>>, vector<16xi32>,
    %slice3A_175 = vector.extract_strided_slice %get3A_174 {offsets = [0], sizes = [1], strides = [1]} : vector<16xi32> to vector<1xi32>
    %squeeze3A_176 = vector.extract %slice3A_175[0] : i32 from vector<1xi32>
    %shift_right_arithmetic3A_177 = arith.constant 7 : i32
    %shift_right_arithmetic3A_178 = arith.shrsi %squeeze3A_176, %shift_right_arithmetic3A_177 : i32
    %mul3A_179 = arith.constant 128 : i32
    %mul3A_180 = arith.muli %shift_right_arithmetic3A_178, %mul3A_179 : i32
    %multiple_of3A_181 = tpu.assume_multiple %mul3A_180, 128 : i32
    %dma_start3A_182 = arith.constant 7 : i32
    %dma_start3A_183 = arith.constant 7 : i32
    %dma_start3A_184 = arith.constant 0 : i32
    %dma_start3A_185 = arith.constant 0 : i32
    %dma_start3A_186 = tpu.memref_slice %arg6[%dma_start3A_182, %dma_start3A_184, %dma_start3A_185] : memref<8x32x128xf32, #tpu.memory_space<vmem>> -> memref<1x32x128xf32, #tpu.memory_space<vmem>>
    %dma_start3A_187 = tpu.memref_squeeze %dma_start3A_186 : memref<1x32x128xf32, #tpu.memory_space<vmem>> -> memref<32x128xf32, #tpu.memory_space<vmem>>
    %dma_start3A_188 = arith.constant 0 : i32
    %dma_start3A_189 = tpu.memref_slice %arg3[%dma_start3A_188, %multiple_of3A_181] : memref<32x1000000xf32, #tpu.memory_space<hbm>> -> memref<32x128xf32, #tpu.memory_space<hbm>>
    %dma_start3A_190 = tpu.memref_slice %arg8[%dma_start3A_183] : memref<8x!tpu.dma_semaphore, #tpu.memory_space<semaphore_mem>> -> memref<1x!tpu.dma_semaphore, #tpu.memory_space<semaphore_mem>>
    %dma_start3A_191 = tpu.memref_squeeze %dma_start3A_190 : memref<1x!tpu.dma_semaphore, #tpu.memory_space<semaphore_mem>> -> memref<!tpu.dma_semaphore, #tpu.memory_space<semaphore_mem>>
    %dma_start3A_192 = arith.constant 0 : i32
    %dma_start3A_193 = arith.constant 0 : i32
    %dma_start3A_194 = tpu.memref_slice %arg6[%dma_start3A_182, %dma_start3A_192, %dma_start3A_193] : memref<8x32x128xf32, #tpu.memory_space<vmem>> -> memref<1x32x128xf32, #tpu.memory_space<vmem>>
    %dma_start3A_195 = tpu.memref_squeeze %dma_start3A_194 : memref<1x32x128xf32, #tpu.memory_space<vmem>> -> memref<32x128xf32, #tpu.memory_space<vmem>>
    %dma_start3A_196 = arith.constant 0 : i32
    %dma_start3A_197 = tpu.memref_slice %arg3[%dma_start3A_196, %multiple_of3A_181] : memref<32x1000000xf32, #tpu.memory_space<hbm>> -> memref<32x128xf32, #tpu.memory_space<hbm>>
    tpu.enqueue_dma source(%dma_start3A_197 : memref<32x128xf32, #tpu.memory_space<hbm>>) target(%dma_start3A_195 : memref<32x128xf32, #tpu.memory_space<vmem>>) target_semaphore(%dma_start3A_191 : memref<!tpu.dma_semaphore, #tpu.memory_space<semaphore_mem>>)
    %scan3A = arith.constant 0 : i32
    %scan3A_198 = arith.constant 0 : i32
    %scan3A_199 = arith.constant 512 : i32
    %scan3A_200 = arith.addi %scan3A_198, %scan3A_199 : i32
    %scan3A_201 = arith.constant 1 : i32
    scf.for %scan3A_203 = %scan3A_198 to %scan3A_200 step %scan3A_201  : i32 {
      %rem3A = arith.constant 8 : i32
      %rem3A_204 = arith.remsi %scan3A_203, %rem3A : i32
      %dma_wait3A = arith.constant 0 : i32
      %dma_wait3A_205 = arith.constant 0 : i32
      %dma_wait3A_206 = tpu.memref_slice %arg6[%rem3A_204, %dma_wait3A, %dma_wait3A_205] : memref<8x32x128xf32, #tpu.memory_space<vmem>> -> memref<1x32x128xf32, #tpu.memory_space<vmem>>
      %dma_wait3A_207 = tpu.memref_squeeze %dma_wait3A_206 : memref<1x32x128xf32, #tpu.memory_space<vmem>> -> memref<32x128xf32, #tpu.memory_space<vmem>>
      %dma_wait3A_208 = arith.constant 0 : i32
      %dma_wait3A_209 = arith.constant 0 : i32
      %dma_wait3A_210 = tpu.memref_slice %arg3[%dma_wait3A_208, %dma_wait3A_209] : memref<32x1000000xf32, #tpu.memory_space<hbm>> -> memref<32x128xf32, #tpu.memory_space<hbm>>
      %dma_wait3A_211 = tpu.memref_slice %arg8[%rem3A_204] : memref<8x!tpu.dma_semaphore, #tpu.memory_space<semaphore_mem>> -> memref<1x!tpu.dma_semaphore, #tpu.memory_space<semaphore_mem>>
      %dma_wait3A_212 = tpu.memref_squeeze %dma_wait3A_211 : memref<1x!tpu.dma_semaphore, #tpu.memory_space<semaphore_mem>> -> memref<!tpu.dma_semaphore, #tpu.memory_space<semaphore_mem>>
      %dma_wait3A_213 = arith.constant 0 : i32
      %dma_wait3A_214 = arith.constant 0 : i32
      %dma_wait3A_215 = tpu.memref_slice %arg6[%rem3A_204, %dma_wait3A_213, %dma_wait3A_214] : memref<8x32x128xf32, #tpu.memory_space<vmem>> -> memref<1x32x128xf32, #tpu.memory_space<vmem>>
      %dma_wait3A_216 = tpu.memref_squeeze %dma_wait3A_215 : memref<1x32x128xf32, #tpu.memory_space<vmem>> -> memref<32x128xf32, #tpu.memory_space<vmem>>
      %dma_wait3A_217 = arith.constant 0 : i32
      %dma_wait3A_218 = arith.constant 0 : i32
      %dma_wait3A_219 = tpu.memref_slice %arg3[%dma_wait3A_217, %dma_wait3A_218] : memref<32x1000000xf32, #tpu.memory_space<hbm>> -> memref<32x128xf32, #tpu.memory_space<hbm>>
      tpu.wait_dma2 semaphore(%dma_wait3A_212 : memref<!tpu.dma_semaphore, #tpu.memory_space<semaphore_mem>>) src(%dma_wait3A_219 : memref<32x128xf32, #tpu.memory_space<hbm>>) dst(%dma_wait3A_216 : memref<32x128xf32, #tpu.memory_space<vmem>>)
      %get3A_220 = arith.index_cast %scan3A_203 : i32 to index
      %get3A_221 = tpu.vector_load %arg5[%get3A_220] {strides = array<i32>} : memref<528xi32, #tpu.memory_space<vmem>>, vector<16xi32>,
      %slice3A_222 = vector.extract_strided_slice %get3A_221 {offsets = [0], sizes = [1], strides = [1]} : vector<16xi32> to vector<1xi32>
      %squeeze3A_223 = vector.extract %slice3A_222[0] : i32 from vector<1xi32>
      %and3A = arith.constant 127 : i32
      %and3A_224 = arith.andi %squeeze3A_223, %and3A : i32
      %broadcast_in_dim3A = vector.broadcast %and3A_224 : i32 to vector<16xi32>
      %gather3A = arith.constant 0 : i32
      %gather3A_225 = arith.constant 0 : i32
      %gather3A_226 = tpu.memref_slice %arg6[%rem3A_204, %gather3A, %gather3A_225] : memref<8x32x128xf32, #tpu.memory_space<vmem>> -> memref<1x32x128xf32, #tpu.memory_space<vmem>>
      %gather3A_227 = tpu.memref_squeeze %gather3A_226 : memref<1x32x128xf32, #tpu.memory_space<vmem>> -> memref<32x128xf32, #tpu.memory_space<vmem>>
      %gather3A_228 = tpu.vector_load_idx %gather3A_227[%iota3A, %broadcast_in_dim3A] : memref<32x128xf32, #tpu.memory_space<vmem>>[vector<16xi32>, vector<16xi32>], vector<16xf32>,
      %gather3A_229 = arith.constant 0 : i32
      %gather3A_230 = arith.constant 0 : i32
      %gather3A_231 = tpu.memref_slice %arg6[%rem3A_204, %gather3A_229, %gather3A_230] : memref<8x32x128xf32, #tpu.memory_space<vmem>> -> memref<1x32x128xf32, #tpu.memory_space<vmem>>
      %gather3A_232 = tpu.memref_squeeze %gather3A_231 : memref<1x32x128xf32, #tpu.memory_space<vmem>> -> memref<32x128xf32, #tpu.memory_space<vmem>>
      %gather3A_233 = tpu.vector_load_idx %gather3A_232[%add3A_3, %broadcast_in_dim3A] : memref<32x128xf32, #tpu.memory_space<vmem>>[vector<16xi32>, vector<16xi32>], vector<16xf32>,
      %swap3A = arith.index_cast %scan3A_203 : i32 to index
      %swap3A_234 = arith.constant 0 : index
      %swap3A_235 = tpu.vector_load %arg7[%swap3A, %swap3A_234] {strides = array<i32>} : memref<512x32xf32, #tpu.memory_space<vmem>>, vector<16xf32>,
      tpu.vector_store %arg7[%swap3A, %swap3A_234], %gather3A_228 {strides = array<i32>} : memref<512x32xf32, #tpu.memory_space<vmem>>, vector<16xf32>,
      %swap3A_236 = arith.index_cast %scan3A_203 : i32 to index
      %swap3A_237 = arith.constant 16 : index
      %swap3A_238 = tpu.vector_load %arg7[%swap3A_236, %swap3A_237] {strides = array<i32>} : memref<512x32xf32, #tpu.memory_space<vmem>>, vector<16xf32>,
      tpu.vector_store %arg7[%swap3A_236, %swap3A_237], %gather3A_233 {strides = array<i32>} : memref<512x32xf32, #tpu.memory_space<vmem>>, vector<16xf32>,
      %add3A_239 = arith.constant 8 : i32
      %add3A_240 = arith.addi %scan3A_203, %add3A_239 : i32
      %lt3A = arith.constant 512 : i32
      %lt3A_241 = arith.cmpi slt, %add3A_240, %lt3A : i32
      %convert_element_type3A = arith.extui %lt3A_241 : i1 to i32
      %cond3A = arith.constant 0 : i32
      %cond3A_242 = arith.cmpi ne, %convert_element_type3A, %cond3A : i32
      scf.if %cond3A_242 {
        %add3A_243 = arith.constant 8 : i32
        %add3A_244 = arith.addi %scan3A_203, %add3A_243 : i32
        %get3A_245 = arith.index_cast %add3A_244 : i32 to index
        %get3A_246 = tpu.vector_load %arg5[%get3A_245] {strides = array<i32>} : memref<528xi32, #tpu.memory_space<vmem>>, vector<16xi32>,
        %slice3A_247 = vector.extract_strided_slice %get3A_246 {offsets = [0], sizes = [1], strides = [1]} : vector<16xi32> to vector<1xi32>
        %squeeze3A_248 = vector.extract %slice3A_247[0] : i32 from vector<1xi32>
        %shift_right_arithmetic3A_249 = arith.constant 7 : i32
        %shift_right_arithmetic3A_250 = arith.shrsi %squeeze3A_248, %shift_right_arithmetic3A_249 : i32
        %mul3A_251 = arith.constant 128 : i32
        %mul3A_252 = arith.muli %shift_right_arithmetic3A_250, %mul3A_251 : i32
        %multiple_of3A_253 = tpu.assume_multiple %mul3A_252, 128 : i32
        %dma_start3A_254 = arith.constant 0 : i32
        %dma_start3A_255 = arith.constant 0 : i32
        %dma_start3A_256 = tpu.memref_slice %arg6[%rem3A_204, %dma_start3A_254, %dma_start3A_255] : memref<8x32x128xf32, #tpu.memory_space<vmem>> -> memref<1x32x128xf32, #tpu.memory_space<vmem>>
        %dma_start3A_257 = tpu.memref_squeeze %dma_start3A_256 : memref<1x32x128xf32, #tpu.memory_space<vmem>> -> memref<32x128xf32, #tpu.memory_space<vmem>>
        %dma_start3A_258 = arith.constant 0 : i32
        %dma_start3A_259 = tpu.memref_slice %arg3[%dma_start3A_258, %multiple_of3A_253] : memref<32x1000000xf32, #tpu.memory_space<hbm>> -> memref<32x128xf32, #tpu.memory_space<hbm>>
        %dma_start3A_260 = tpu.memref_slice %arg8[%rem3A_204] : memref<8x!tpu.dma_semaphore, #tpu.memory_space<semaphore_mem>> -> memref<1x!tpu.dma_semaphore, #tpu.memory_space<semaphore_mem>>
        %dma_start3A_261 = tpu.memref_squeeze %dma_start3A_260 : memref<1x!tpu.dma_semaphore, #tpu.memory_space<semaphore_mem>> -> memref<!tpu.dma_semaphore, #tpu.memory_space<semaphore_mem>>
        %dma_start3A_262 = arith.constant 0 : i32
        %dma_start3A_263 = arith.constant 0 : i32
        %dma_start3A_264 = tpu.memref_slice %arg6[%rem3A_204, %dma_start3A_262, %dma_start3A_263] : memref<8x32x128xf32, #tpu.memory_space<vmem>> -> memref<1x32x128xf32, #tpu.memory_space<vmem>>
        %dma_start3A_265 = tpu.memref_squeeze %dma_start3A_264 : memref<1x32x128xf32, #tpu.memory_space<vmem>> -> memref<32x128xf32, #tpu.memory_space<vmem>>
        %dma_start3A_266 = arith.constant 0 : i32
        %dma_start3A_267 = tpu.memref_slice %arg3[%dma_start3A_266, %multiple_of3A_253] : memref<32x1000000xf32, #tpu.memory_space<hbm>> -> memref<32x128xf32, #tpu.memory_space<hbm>>
        tpu.enqueue_dma source(%dma_start3A_267 : memref<32x128xf32, #tpu.memory_space<hbm>>) target(%dma_start3A_265 : memref<32x128xf32, #tpu.memory_space<vmem>>) target_semaphore(%dma_start3A_261 : memref<!tpu.dma_semaphore, #tpu.memory_space<semaphore_mem>>)
      } else {
      }
    }
    %scan3A_202 = arith.constant 512 : i32
    "tpu.region"() ({
      %run_scoped3A = tpu.sem_alloc : memref<!tpu.dma_semaphore, #tpu.memory_space<semaphore_mem>>
      %dma_start3A_203 = arith.constant 0 : i32
      %dma_start3A_204 = arith.constant 0 : i32
      %dma_start3A_205 = tpu.memref_slice %arg4[%add3A, %dma_start3A_203, %dma_start3A_204] : memref<32x512x32xf32, #tpu.memory_space<hbm>> -> memref<1x512x32xf32, #tpu.memory_space<hbm>>
      %dma_start3A_206 = tpu.memref_squeeze %dma_start3A_205 : memref<1x512x32xf32, #tpu.memory_space<hbm>> -> memref<512x32xf32, #tpu.memory_space<hbm>>
      %dma_start3A_207 = arith.constant 0 : i32
      %dma_start3A_208 = arith.constant 0 : i32
      %dma_start3A_209 = tpu.memref_slice %arg4[%add3A, %dma_start3A_207, %dma_start3A_208] : memref<32x512x32xf32, #tpu.memory_space<hbm>> -> memref<1x512x32xf32, #tpu.memory_space<hbm>>
      %dma_start3A_210 = tpu.memref_squeeze %dma_start3A_209 : memref<1x512x32xf32, #tpu.memory_space<hbm>> -> memref<512x32xf32, #tpu.memory_space<hbm>>
      tpu.enqueue_dma source(%arg7 : memref<512x32xf32, #tpu.memory_space<vmem>>) target(%dma_start3A_210 : memref<512x32xf32, #tpu.memory_space<hbm>>) target_semaphore(%run_scoped3A : memref<!tpu.dma_semaphore, #tpu.memory_space<semaphore_mem>>)
      %dma_wait3A = arith.constant 0 : i32
      %dma_wait3A_211 = arith.constant 0 : i32
      %dma_wait3A_212 = tpu.memref_slice %arg4[%add3A, %dma_wait3A, %dma_wait3A_211] : memref<32x512x32xf32, #tpu.memory_space<hbm>> -> memref<1x512x32xf32, #tpu.memory_space<hbm>>
      %dma_wait3A_213 = tpu.memref_squeeze %dma_wait3A_212 : memref<1x512x32xf32, #tpu.memory_space<hbm>> -> memref<512x32xf32, #tpu.memory_space<hbm>>
      %dma_wait3A_214 = arith.constant 0 : i32
      %dma_wait3A_215 = arith.constant 0 : i32
      %dma_wait3A_216 = tpu.memref_slice %arg4[%add3A, %dma_wait3A_214, %dma_wait3A_215] : memref<32x512x32xf32, #tpu.memory_space<hbm>> -> memref<1x512x32xf32, #tpu.memory_space<hbm>>
      %dma_wait3A_217 = tpu.memref_squeeze %dma_wait3A_216 : memref<1x512x32xf32, #tpu.memory_space<hbm>> -> memref<512x32xf32, #tpu.memory_space<hbm>>
      tpu.wait_dma2 semaphore(%run_scoped3A : memref<!tpu.dma_semaphore, #tpu.memory_space<semaphore_mem>>) src(%arg7 : memref<512x32xf32, #tpu.memory_space<vmem>>) dst(%dma_wait3A_217 : memref<512x32xf32, #tpu.memory_space<hbm>>)
      tpu.yield
    }) : () -> ()
    return
  }
}

</mosaic_0001>

<sc_bundles>
// kernel: _embedding_gather.3.cloned.1.call-start
scs
__scs_entry_jumppad:
0x0: {  	(pc) =	sbr.rel $0x88, $3  }
0x1: {  	(tag) =	ssettag $0x0;
	lr =	simm.s32 $0x1  }
0x2: {  	[smem:$0x3F9F] =	sst lr;
	_ =	strace $0xD0000000  }
0x3: {  	_ = 	snop  }
0x4: {  	_ = 	snop  }
0x5: {  	_ = 	snop  }
0x6: {  	_ = 	snop  }
0x7: {  	_ = 	snop  }
__scs_overlays_trampoline_lowered:
0x8: {  	[smem:$0x3FAE] =	sst s0  }
0x9: {  	[smem:$0x3FAF] =	sst s1  }
0xa: {  	[smem:$0x3FB0] =	sst s2  }
0xb: {  	[smem:$0x3FB1] =	sst s3  }
0xc: {  	[smem:$0x3FB2] =	sst s4  }
0xd: {  	[smem:$0x3FB3] =	sst s5  }
0xe: {  	[smem:$0x3FB4] =	sst s6  }
0xf: {  	[smem:$0x3FB5] =	sst s7  }
0x10: {  	[smem:$0x3FB6] =	sst s8  }
0x11: {  	[smem:$0x3FB7] =	sst s9;
	s0 =	simm.s32 @!p0 $0x0  }
0x12: {  	s1 =	sld [smem:$0x3F9D];
	s0 =	simm.s32 @p0 $0x1  }
0x13: {  	[smem:$0x3FB8] =	sst s0;
	s0 =	simm.s32 @!p1 $0x0  }
0x14: {  	s2 =	sld [smem:$0x3F9C];
	s0 =	simm.s32 @p1 $0x1  }
0x15: {  	[smem:$0x3FB9] =	sst s0;
	s0 =	simm.s32 @!p2 $0x0  }
0x16: {  	s3 =	sld [smem:$0x3FDB];
	s0 =	simm.s32 @p2 $0x1  }
0x17: {  	s4 =	simm.s32 $0x1BF5;
	[smem:$0x3FBB] =	sst s0  }
0x18: {  	s0 =	sld [smem:$0x3F9E];
	_ =	swait.ge [sflag:s4], $0x0  }
0x19: {  	s7 =	sld [smem:$0x3F9F]  }
0x1a: {  	s8 =	sadd.s32 $0xFFFFE003, lr  }
0x1b: {  	s9 =	sadd.s32 $0xFFFFFEF7, lr;
	s5 =	simm.s32 $0xFFFFFFFF;
	p2 =	slt.u32 s8, $0xFFFFF086  }
0x1c: {  	p1 =	slt.u32 s9, $0xF7A;
	s5 =	simm.s32 @!p2 $0x0  }
0x1d: {  	s5 =	simm.s32 @p1 $0x1;
	p0 =	seq.s32 s7, s2  }
0x1e: {  	s7 =	smul.u32 @!p0 $0xF7A, s2;
	p2 =	seq.s32 @!p0 s5, $0x0  }
0x1f: {  	s9 =	smul.u32 $0xF7A, s1;
	s8 =	simm.s32 @!p0 $0x1BF5;
	p2 =	por !p2, p0  }
0x20: {  	[sflag:s8] =	ssyncset.s32 @!p0 $0xFFFFF086;
	s6 =	sadd.s32 @!p0 s3, s7;
	s7 =	simm.s32 @!p0 $0x108  }
0x21: {  	s3 =	sadd.s32 s3, s9;
	s6 =	sadd.s32 @!p0 $0x88, s6;
	s7 =	simm.s32 @p2 $0x1082  }
0x22: {  	[simem:s7], [sflag:s8] =	dma.local @!p0 [hbm:s6], $0xF7A  }
0x23: {  	s9 =	sor.u32 $0xD0000000, s2;
	s6 =	simm.s32 $0x108;
	_ =	swait.ge @!p0 [sflag:s8], $0x0  }
0x24: {  	s3 =	sadd.s32 $0x88, s3;
	s6 =	simm.s32 @!p1 $0x1082;
	[sflag:s4] =	ssyncset.s32 $0xFFFFF086  }
0x25: {  	[simem:s6], [sflag:s4] =	dma.local [hbm:s3], $0xF7A  }
0x26: {  	[smem:$0x3F9F] =	sst s1;
	(tag) =	ssettag s2;
	_ =	strace s9  }
0x27: {  	s1 =	sld [smem:$0x3FAF]  }
0x28: {  	s2 =	sld [smem:$0x3FB0]  }
0x29: {  	s4 =	sld [smem:$0x3FB2]  }
0x2a: {  	p0 =	seq.s32 s5, $0x0;
	s5 =	sld [smem:$0x3FB3]  }
0x2b: {  	s6 =	sld [smem:$0x3FB4]  }
0x2c: {  	s7 =	sld [smem:$0x3FB5]  }
0x2d: {  	s3 =	simm.s32 $0x108;
	s8 =	sld [smem:$0x3FB6]  }
0x2e: {  	s3 =	simm.s32 @!p0 $0x1082;
	s9 =	sld [smem:$0x3FB7]  }
0x2f: {  	lr =	sadd.s32 s0, s3;
	s0 =	sld [smem:$0x3FAE]  }
0x30: {  	s3 =	sld [smem:$0x3FB1]  }
0x31: {  	[smem:$0x3FBA] =	sst s10  }
0x32: {  	s10 =	sld [smem:$0x3FB8];
	_ =	sdelay $0x3  }
0x33: {  	p0 =	seq.s32 s10, $0x1;
	s10 =	sld [smem:$0x3FBA];
	_ =	sdelay $0x3  }
0x34: {  	[smem:$0x3FBA] =	sst s10  }
0x35: {  	s10 =	sld [smem:$0x3FB9];
	_ =	sdelay $0x3  }
0x36: {  	p1 =	seq.s32 s10, $0x1;
	s10 =	sld [smem:$0x3FBA];
	_ =	sdelay $0x3  }
0x37: {  	[smem:$0x3FBA] =	sst s10  }
0x38: {  	s10 =	sld [smem:$0x3FBB]  }
0x39: {  	_ = 	snop;
	(pc) =	sbr.ind lr, $3  }
0x3a: {  	_ = 	snop  }
0x3b: {  	_ = 	snop  }
0x3c: {  	p2 =	seq.s32 s10, $0x1;
	s10 =	sld [smem:$0x3FBA]  }
0x3d: {  	_ =	shalt  }
0x3e: {  	_ =	shalt  }
0x3f: {  	_ =	shalt  }
0x40: {  	_ =	shalt  }
0x41: {  	_ =	shalt  }
0x42: {  	_ =	shalt  }
0x43: {  	_ =	shalt  }
0x44: {  	_ =	shalt  }
0x45: {  	_ =	shalt  }
0x46: {  	_ =	shalt  }
0x47: {  	_ =	shalt  }
0x48: {  	_ =	shalt  }
0x49: {  	_ =	shalt  }
0x4a: {  	_ =	shalt  }
0x4b: {  	_ =	shalt  }
0x4c: {  	_ =	shalt  }
0x4d: {  	_ =	shalt  }
0x4e: {  	_ =	shalt  }
0x4f: {  	_ =	shalt  }
0x50: {  	_ =	shalt  }
0x51: {  	_ =	shalt  }
0x52: {  	_ =	shalt  }
0x53: {  	_ =	shalt  }
0x54: {  	_ =	shalt  }
0x55: {  	_ =	shalt  }
0x56: {  	_ =	shalt  }
0x57: {  	_ =	shalt  }
0x58: {  	_ =	shalt  }
0x59: {  	_ =	shalt  }
0x5a: {  	_ =	shalt  }
0x5b: {  	_ =	shalt  }
0x5c: {  	_ =	shalt  }
0x5d: {  	_ =	shalt  }
0x5e: {  	_ =	shalt  }
0x5f: {  	_ =	shalt  }
0x60: {  	_ =	shalt  }
0x61: {  	_ =	shalt  }
0x62: {  	_ =	shalt  }
0x63: {  	_ =	shalt  }
0x64: {  	_ =	shalt  }
0x65: {  	_ =	shalt  }
0x66: {  	_ =	shalt  }
0x67: {  	_ =	shalt  }
0x68: {  	_ =	shalt  }
0x69: {  	_ =	shalt  }
0x6a: {  	_ =	shalt  }
0x6b: {  	_ =	shalt  }
0x6c: {  	_ =	shalt  }
0x6d: {  	_ =	shalt  }
0x6e: {  	_ =	shalt  }
0x6f: {  	_ =	shalt  }
0x70: {  	_ =	shalt  }
0x71: {  	_ =	shalt  }
0x72: {  	_ =	shalt  }
0x73: {  	_ =	shalt  }
0x74: {  	_ =	shalt  }
0x75: {  	_ =	shalt  }
0x76: {  	_ =	shalt  }
0x77: {  	_ =	shalt  }
0x78: {  	_ =	shalt  }
0x79: {  	_ =	shalt  }
0x7a: {  	_ =	shalt  }
0x7b: {  	_ =	shalt  }
0x7c: {  	_ =	shalt  }
0x7d: {  	_ =	shalt  }
0x7e: {  	_ =	shalt  }
0x7f: {  	_ =	shalt  }
0x80: {  	_ =	shalt  }
0x81: {  	_ =	shalt  }
0x82: {  	_ =	shalt  }
0x83: {  	_ =	shalt  }
0x84: {  	_ =	shalt  }
0x85: {  	_ =	shalt  }
0x86: {  	_ =	shalt  }
0x87: {  	_ =	shalt  }
.Lfunc_end0:
.L_simem_size_0:
called_computation_lowered:
.L_overlay_start_0:
0x88: {  	s2 =	sld [smem:$0x3FD9]  }
0x89: {  	s3 =	sld [smem:$0x3FFE];
	_ =	sdelay $0x1  }
0x8a: {  	s1 =	srdreg.scid  }
0x8b: {  	s0 =	sand.u32 $0x1, s1  }
0x8c: {  	s17 =	sshll.u32 s0, $0xA;
	s2 =	sadd.s32 s3, s2  }
0x8d: {  	s2 =	sadd.s32 s2, s17  }
0x8e: {  	[smem:$0x3FC6] =	sst s2  }
0x8f: {  	_ = 	snop  }
0x90: {  	s2 =	sld [smem:$0x3FC9]  }
0x91: {  	s18 =	sld [smem:$0x3FC8];
	(tm) =	ssettm $0x1  }
0x92: {  	s4 =	sld [smem:$0x3FFB];
	_ =	sdelay $0x3  }
0x93: {  	_ =	strace s4  }
0x94: {  	s4 =	sld [smem:$0x3FFC];
	_ =	sdelay $0x3  }
0x95: {  	_ =	strace s4  }
0x96: {  	s4 =	sld [smem:$0x3FFD];
	_ =	sdelay $0x3  }
0x97: {  	_ =	strace s4  }
0x98: {  	_ =	strace $0x8FFFFFFF  }
0x99: {  	s19 =	sld [smem:$0x3FDB];
	_ =	sdelay $0x1  }
0x9a: {  	s5 =	simm.s32 $_scs_section_size  }
0x9b: {  	s6 =	simm.s32 $_size__tile_overlayer_lowered;
	s7 =	simm.s32 $_tile_overlayer_lowered  }
0x9c: {  	s22 =	simm.s32 $0x1BFF;
	s21 =	sshll.u32 s7, $0x1;
	s4 =	sadd.s32 s5, s19  }
0x9d: {  	s8 =	simm.s32 $0x0;
	s20 =	sshll.u32 s6, $0x1;
	s6 =	sadd.s32 s21, s4  }
0x9e: {  	[timem:s8], [sflag:s22] =	dma.local [hbm:s6], s20  }
0x9f: {  	_ =	swait.ge [sflag:s22], s20  }
0xa0: {  	s5 =	ssub.s32 $0x0, s20;
	[sflag:s22] =	ssyncset.done $0x0  }
0xa1: {  	[sflag:s22] =	ssyncadd.s32 s5;
	_ =	sdelay $0x1  }
0xa2: {  	s23 =	simm.s32 $0x1B8B  }
0xa3: {  	_ =	swait.ge [sflag:s23], $0x1  }
0xa4: {  	[sflag:s23] =	ssyncset.done $0x0  }
0xa5: {  	s25 =	simm.s32 $0x1B8E;
	s24 =	sld [smem:$0x3FFE];
	[sflag:s23] =	ssyncadd.s32 $0xFFFFFFFF  }
0xa6: {  	s26 =	simm.s32 $execute0_lowered;
	[smem:$0x3FD2] =	sst s25  }
0xa7: {  	s6 =	sshll.u32 s26, $0x1;
	_ =	strace $0x80000046;
	[dreg:$0x1] =	wrdreg $0xFFFFFFFF  }
0xa8: {  	s28 =	simm.s32 $_size_execute0_lowered;
	s4 =	sadd.s32 s4, s6;
	[dreg:$0x0] =	wrdreg $0x0  }
0xa9: {  	s6 =	sshll.u32 s28, $0x1;
	[dreg:$0x2] =	wrdreg s4  }
0xaa: {  	[dreg:$0x3] =	wrdreg s6  }
0xab: {  	[dreg:$0x4] =	wrdreg $0xC0  }
0xac: {  	_ =	task [dreg:s8], $0x5FFFF  }
0xad: {  	[dreg:$0x1] =	wrdreg $0xFFFFFFFF  }
0xae: {  	[dreg:$0x0] =	wrdreg $0x60  }
0xaf: {  	[dreg:$0x2] =	wrdreg s2  }
0xb0: {  	[dreg:$0x3] =	wrdreg s18  }
0xb1: {  	[dreg:$0x4] =	wrdreg s24  }
0xb2: {  	[dreg:$0x5] =	wrdreg $0x9  }
0xb3: {  	_ =	task.clear_ibuf [dreg:s8], $0x6FFFF;
	_ =	strace $0x90000046  }
0xb4: {  	s29 =	simm.s32 $0x9;
	_ =	strace $0x80000048  }
0xb5: {  	_ =	swait.ge [sflag:s29], $0x1  }
0xb6: {  	[sflag:s29] =	ssyncadd.s32 $0xFFFFFFFF  }
0xb7: {  	_ =	strace $0x90000048  }
0xb8: {  	_ =	sfence  }
0xb9: {  	s30 =	sld [smem:$0x0];
	_ =	sdelay $0x2  }
0xba: {  	s31 =	sshll.u32 s1, $0xD;
	s1 =	sshrl.u32 s1, $0x2  }
0xbb: {  	s3 =	sand.u32 $0x4000, s31;
	s1 =	sadd.s32 s1, s30  }
0xbc: {  	s0 =	sor.u32 s3, s0;
	s1 =	sshll.u32 s1, $0x11  }
0xbd: {  	s0 =	sor.u32 s1, s0  }
0xbe: {  	s0 =	sadd.s32 $0x8F2B, s0  }
0xbf: {  	[sflag:s0] =	ssyncadd.remote.s32 $0x1  }
0xc0: {  	_ =	sfence.sel $0xFFFF  }
0xc1: {  	[dreg:$0x0] =	wrdreg $0xFFFFFFFF;
	(pc) =	sbr.abs _section_cstart, $3  }
0xc2: {  	[dreg:$0x1] =	wrdreg $0xFFFFFFFF  }
0xc3: {  	_ =	task.clear_ibuf [dreg:s8], $0x2FFFF;
	_ =	strace $0x9FFFFFFF  }
0xc4: {  	(tm) =	ssettm $0x7FFFFFFF  }
0xc5: {  	_ =	shalt  }
tec
execute0_lowered:
.L_overlay_start_1:
0x0: {  	(tag) =	ssettag $0x1  }
0x1: {  	s4 =	rddreg [dreg:$0x0]  }
0x2: {  	s2 =	rddreg [dreg:$0x1];
	s1 =	srdreg.scid  }
0x3: {  	s0 =	stileid.u32;
	s5 =	rddreg [dreg:$0x2]  }
0x4: {  	s3 =	simm.s32 $0x0;
	s10 =	simm.s32 $0x7A1400;
	s11 =	simm.s32 $0x280  }
0x5: {  	s12 =	simm.s32 $0x1280;
	s13 =	simm.s32 $0x2280;
	s14 =	simm.s32 $0x3280  }
0x6: {  	s15 =	simm.s32 $0x4280;
	s16 =	simm.s32 $0x5280;
	s17 =	simm.s32 $0x6280  }
0x7: {  	s18 =	simm.s32 $0x7280;
	s19 =	simm.s32 $0x8280;
	s20 =	simm.s32 $0x0  }
0x8: {  	s6 =	sand.u32 $0x1, s1;
	s7 =	sshll.u32 s0, $0x1;
	[smem:$0x7FF] =	sst s3  }
0x9: {  	s31 =	sshll.u32 s0, $0x7;
	s7 =	sor.u32 s6, s7;
	_ =	strace $0x80000047  }
0xa: {  	s6 =	ssub.s32 $0x2, s6;
	s8 =	sshll.u32 s7, $0xD;
	s7 =	sshll.u32 s7, $0x4  }
0xb: {  	v0 =	vlaneseq.u32;
	s9 =	sshrl.u32 s6, $0x1;
	s5 =	sadd.s32 s8, s5;
	s8 =	sand.u32 $0x600, s31  }
0xc: {  	v0 =	vmul.u32 $0x80, v0;
	s7 =	sand.u32 $0x70, s7;
	s6 =	ssub.s32 s6, s9;
	s9 =	simm.s32 $0x9  }
0xd: {  	s4 =	sadd.s32 s4, s8;
	s5 =	sadd.s32 $0x400, s5;
	s6 =	smax.u32 s6, $0x1  }
0xe: {  	v1 =	vor.u32 $0x800, v0;
	s8 =	simm.s32 $0x400;
	s4 =	sadd.s32 s7, s4;
	s7 =	simm.s32 $0x80  }
.LBB2_1:
0xf: {  	[tilespmem:s3], [sflag:$0x9] =	stream.strided.gather [hbm4b:s4+s7], $0x200, s8, s7, $0x38;
	[tilespmem:$0x18280] =	vst v63  }
0x10: {  	_ =	swait.ge [sflag:s9], $0x200  }
0x11: {  	[sflag:s9] =	ssyncset.done $0x0  }
0x12: {  	[sflag:s9] =	ssyncadd.s32 $0xFFFFFE00  }
0x13: {  	v2 =	vld [tilespmem:$0x0];
	_ =	sdelay $0x4  }
0x14: {  	(v2sf) =	vpush v2, $0x0;
	_ =	sdelay $0xe  }
0x15: {  	s21 =	spop (v2sf)  }
0x16: {  	s21 =	sand.u32 $0xFFFFF80, s21  }
0x17: {  	s21 =	sadd.s32 s2, s21  }
0x18: {  	[tilespmem:s11], [sflag:$0x1] =	stream.strided.gather [hbm4b:s21+s8], $0x1000, s10, s8, $0x38;
	[tilespmem:$0x18280] =	vst v63  }
0x19: {  	v2 =	vld [tilespmem:$0x1];
	_ =	sdelay $0x4  }
0x1a: {  	(v2sf) =	vpush v2, $0x0;
	_ =	sdelay $0xe  }
0x1b: {  	s1 =	spop (v2sf)  }
0x1c: {  	s21 =	sand.u32 $0xFFFFF80, s1  }
0x1d: {  	s21 =	sadd.s32 s2, s21  }
0x1e: {  	[tilespmem:s12], [sflag:$0x2] =	stream.strided.gather [hbm4b:s21+s8], $0x1000, s10, s8, $0x38;
	[tilespmem:$0x18280] =	vst v63  }
0x1f: {  	v2 =	vld [tilespmem:$0x2];
	_ =	sdelay $0x4  }
0x20: {  	(v2sf) =	vpush v2, $0x0;
	_ =	sdelay $0xe  }
0x21: {  	s22 =	spop (v2sf)  }
0x22: {  	s21 =	sand.u32 $0xFFFFF80, s22  }
0x23: {  	s21 =	sadd.s32 s2, s21  }
0x24: {  	[tilespmem:s13], [sflag:$0x3] =	stream.strided.gather [hbm4b:s21+s8], $0x1000, s10, s8, $0x38;
	[tilespmem:$0x18280] =	vst v63  }
0x25: {  	v2 =	vld [tilespmem:$0x3];
	_ =	sdelay $0x4  }
0x26: {  	(v2sf) =	vpush v2, $0x0;
	_ =	sdelay $0xe  }
0x27: {  	s23 =	spop (v2sf)  }
0x28: {  	s21 =	sand.u32 $0xFFFFF80, s23  }
0x29: {  	s21 =	sadd.s32 s2, s21  }
0x2a: {  	[tilespmem:s14], [sflag:$0x4] =	stream.strided.gather [hbm4b:s21+s8], $0x1000, s10, s8, $0x38;
	[tilespmem:$0x18280] =	vst v63  }
0x2b: {  	v2 =	vld [tilespmem:$0x4];
	_ =	sdelay $0x4  }
0x2c: {  	(v2sf) =	vpush v2, $0x0;
	_ =	sdelay $0xe  }
0x2d: {  	s24 =	spop (v2sf)  }
0x2e: {  	s21 =	sand.u32 $0xFFFFF80, s24  }
0x2f: {  	s21 =	sadd.s32 s2, s21  }
0x30: {  	[tilespmem:s15], [sflag:$0x5] =	stream.strided.gather [hbm4b:s21+s8], $0x1000, s10, s8, $0x38;
	[tilespmem:$0x18280] =	vst v63  }
0x31: {  	v2 =	vld [tilespmem:$0x5];
	_ =	sdelay $0x4  }
0x32: {  	(v2sf) =	vpush v2, $0x0;
	_ =	sdelay $0xe  }
0x33: {  	s25 =	spop (v2sf)  }
0x34: {  	s21 =	sand.u32 $0xFFFFF80, s25  }
0x35: {  	s21 =	sadd.s32 s2, s21  }
0x36: {  	[tilespmem:s16], [sflag:$0x6] =	stream.strided.gather [hbm4b:s21+s8], $0x1000, s10, s8, $0x38;
	[tilespmem:$0x18280] =	vst v63  }
0x37: {  	v2 =	vld [tilespmem:$0x6];
	_ =	sdelay $0x4  }
0x38: {  	(v2sf) =	vpush v2, $0x0;
	_ =	sdelay $0xe  }
0x39: {  	s26 =	spop (v2sf)  }
0x3a: {  	s21 =	sand.u32 $0xFFFFF80, s26  }
0x3b: {  	s21 =	sadd.s32 s2, s21  }
0x3c: {  	[tilespmem:s17], [sflag:$0x7] =	stream.strided.gather [hbm4b:s21+s8], $0x1000, s10, s8, $0x38;
	[tilespmem:$0x18280] =	vst v63  }
0x3d: {  	v2 =	vld [tilespmem:$0x7];
	_ =	sdelay $0x4  }
0x3e: {  	(v2sf) =	vpush v2, $0x0;
	_ =	sdelay $0xe  }
0x3f: {  	s30 =	spop (v2sf)  }
0x40: {  	s21 =	sand.u32 $0xFFFFF80, s30  }
0x41: {  	s22 =	sand.u32 $0x7, s3;
	s21 =	sadd.s32 s2, s21  }
0x42: {  	[tilespmem:s18], [sflag:$0x8] =	stream.strided.gather [hbm4b:s21+s8], $0x1000, s10, s8, $0x38;
	[tilespmem:$0x18280] =	vst v63  }
0x43: {  	s21 =	sadd.s32 $0x1, s22  }
0x44: {  	_ =	swait.ge [sflag:s21], $0x1000  }
0x45: {  	[sflag:s21] =	ssyncset.done $0x0  }
0x46: {  	s23 =	simm.s32 $0x8;
	[sflag:s21] =	ssyncadd.s32 $0xFFFFF000  }
0x47: {  	v2 =	vld [tilespmem:s23+$0xFFFFFFF8];
	_ =	sdelay $0x4  }
0x48: {  	(v2sf) =	vpush v2, $0x0;
	_ =	sdelay $0xe  }
0x49: {  	s24 =	spop (v2sf)  }
0x4a: {  	s24 =	sand.u32 $0x7F, s24  }
0x4b: {  	v2 =	vor.u32 s24, v0  }
0x4c: {  	v3 =	vor.u32 s24, v1;
	_ =	sdelay $0x1  }
0x4d: {  	s22 =	sshll.u32 s22, $0xC  }
0x4e: {  	s26 =	sor.u32 $0x280, s22  }
0x4f: {  	v2 =	vld.idx.msk [tilespmem:v2+s26+$0x0], $0xffff  }
0x50: {  	v3 =	vld.idx.msk [tilespmem:v3+s26+$0x0], $0xffff;
	_ =	sdelay $0x2  }
0x51: {  	s31 =	simm.s32 $0x8290  }
0x52: {  	[tilespmem:s31+$0xFFFFFFF0] =	vst v2  }
0x53: {  	p1 =	por $0x0, $0x0;
	[tilespmem:s31+$0x0] =	vst v3  }
0x54: {  	v2 =	vld @!p1 [tilespmem:s23+$0x0];
	_ =	sdelay $0x4  }
0x55: {  	(v2sf) =	vpush @!p1 v2, $0x0;
	_ =	sdelay $0xd  }
0x56: {  	s29 =	simm.s32 @!p1 $0x7A1400;
	s25 =	simm.s32 $0x2;
	s22 =	simm.s32 $0x1  }
0x57: {  	s24 =	simm.s32 $0x8310;
	s23 =	simm.s32 $0x9;
	s28 =	spop @!p1 (v2sf)  }
.LBB2_2:
0x58: {  	s30 =	sand.u32 $0x7, s22  }
0x59: {  	s31 =	sand.u32 @!p1 $0xFFFFF80, s28;
	s1 =	simm.s32 @!p1 $0x400;
	s28 =	smov.u32 s25  }
0x5a: {  	s0 =	sadd.s32 $0x1, s30;
	s30 =	sshll.u32 s30, $0xC;
	s31 =	sadd.s32 @!p1 s2, s31  }
0x5b: {  	[tilespmem:s26], [sflag:s21] =	stream.strided.gather @!p1 [hbm4b:s31+s1], $0x1000, s29, s1, $0x38;
	[tilespmem:$0x18280] =	vst v63  }
0x5c: {  	s25 =	sadd.s32 $0x1, s25;
	s21 =	smov.u32 s0;
	_ =	swait.ge [sflag:s0], $0x1000  }
0x5d: {  	p0 =	sne.s32 s25, $0x200;
	[sflag:s21] =	ssyncset.done $0x0  }
0x5e: {  	[sflag:s21] =	ssyncadd.s32 $0xFFFFF000  }
0x5f: {  	v2 =	vld [tilespmem:s23+$0xFFFFFFF8];
	_ =	sdelay $0x4  }
0x60: {  	(v2sf) =	vpush v2, $0x0;
	_ =	sdelay $0xe  }
0x61: {  	s0 =	spop (v2sf)  }
0x62: {  	s0 =	sand.u32 $0x7F, s0  }
0x63: {  	v2 =	vor.u32 s0, v0;
	v3 =	vor.u32 s0, v1;
	_ =	sdelay $0x3  }
0x64: {  	s26 =	sor.u32 $0x280, s30  }
0x65: {  	v2 =	vld.idx.msk [tilespmem:v2+s26+$0x0], $0xffff  }
0x66: {  	v3 =	vld.idx.msk [tilespmem:v3+s26+$0x0], $0xffff;
	_ =	sdelay $0x4  }
0x67: {  	[tilespmem:s24+$0xFFFFFFF0] =	vst v2  }
0x68: {  	p1 =	sgt.u32 s22, $0x1F7;
	s22 =	smov.u32 s28;
	[tilespmem:s24+$0x0] =	vst v3  }
0x69: {  	v2 =	vld @!p1 [tilespmem:s23+$0x0];
	_ =	sdelay $0x4  }
0x6a: {  	(v2sf) =	vpush @!p1 v2, $0x0;
	_ =	sdelay $0xa  }
.Ltmp0:
0x6b: {  	(pc) =	sbr.rel @p0 .LBB2_2-.Ltmp0, $3  }
0x6c: {  	_ =	sdelay $0x1  }
0x6d: {  	s24 =	sadd.s32 $0x80, s24  }
0x6e: {  	s29 =	simm.s32 @!p1 $0x7A1400;
	s23 =	sadd.s32 $0x1, s23;
	s28 =	spop @!p1 (v2sf)  }
0x6f: {  	s0 =	sand.u32 $0x7, s22;
	s1 =	sand.u32 @!p1 $0xFFFFF80, s28  }
0x70: {  	s25 =	simm.s32 @!p1 $0x400;
	s28 =	sadd.s32 $0x1, s0;
	s1 =	sadd.s32 @!p1 s2, s1  }
0x71: {  	[tilespmem:s26], [sflag:s21] =	stream.strided.gather @!p1 [hbm4b:s1+s25], $0x1000, s29, s25, $0x38;
	[tilespmem:$0x18280] =	vst v63  }
0x72: {  	_ =	swait.ge [sflag:s28], $0x1000  }
0x73: {  	[sflag:s28] =	ssyncset.done $0x0  }
0x74: {  	[sflag:s28] =	ssyncadd.s32 $0xFFFFF000  }
0x75: {  	v2 =	vld [tilespmem:s23+$0xFFFFFFF8];
	_ =	sdelay $0x4  }
0x76: {  	(v2sf) =	vpush v2, $0x0;
	_ =	sdelay $0xe  }
0x77: {  	s31 =	spop (v2sf)  }
0x78: {  	s1 =	sand.u32 $0x7F, s31  }
0x79: {  	v2 =	vor.u32 s1, v0  }
0x7a: {  	v3 =	vor.u32 s1, v1;
	_ =	sdelay $0x1  }
0x7b: {  	s0 =	sshll.u32 s0, $0xC  }
0x7c: {  	s0 =	sor.u32 $0x280, s0  }
0x7d: {  	v2 =	vld.idx.msk [tilespmem:v2+s0+$0x0], $0xffff  }
0x7e: {  	v3 =	vld.idx.msk [tilespmem:v3+s0+$0x0], $0xffff;
	_ =	sdelay $0x3  }
0x7f: {  	[tilespmem:s24+$0xFFFFFFF0] =	vst v2  }
0x80: {  	p0 =	sgt.u32 s22, $0x1F7;
	[tilespmem:s24+$0x0] =	vst v3  }
0x81: {  	v2 =	vld @!p0 [tilespmem:s23+$0x0];
	_ =	sdelay $0x4  }
0x82: {  	(v2sf) =	vpush @!p0 v2, $0x0;
	_ =	sdelay $0xe  }
0x83: {  	s1 =	spop @!p0 (v2sf)  }
0x84: {  	s20 =	sadd.s32 $0x1, s20;
	s1 =	sand.u32 @!p0 $0xFFFFF80, s1  }
0x85: {  	s22 =	simm.s32 @!p0 $0x400;
	s21 =	simm.s32 @!p0 $0x7A1400;
	s1 =	sadd.s32 @!p0 s2, s1  }
0x86: {  	[tilespmem:s0], [sflag:s28] =	stream.strided.gather @!p0 [hbm4b:s1+s22], $0x1000, s21, s22, $0x38;
	[tilespmem:$0x18280] =	vst v63  }
0x87: {  	p0 =	sne.s32 s20, s6  }
.Ltmp1:
0x88: {  	_ = 	snop;
	(pc) =	sbr.rel @p0 .LBB2_1-.Ltmp1, $4  }
0x89: {  	[hbm4b:s5+s3] =	stream.linear.scatter [tilespmem:s19], [sflag:$0x9], $0x10000, $0x38;
	[tilespmem:$0x18280] =	vst v63  }
0x8a: {  	_ =	swait.ge [sflag:s9], $0x10000  }
0x8b: {  	[sflag:s9] =	ssyncset.done $0x0  }
0x8c: {  	[sflag:s9] =	ssyncadd.s32 $0xFFFF0000  }
0x8d: {  	_ =	sfence.sel $0x180000  }
0x8e: {  	[bflag:$0x0] =	sbarrier.arrive $0xFFFF  }
0x8f: {  	_ =	strace $0x90000047  }
0x90: {  	s0 =	stileid.u32;
	[bflag:$0x2] =	sbarrier.arrive $0xFFFF  }
0x91: {  	p0 =	sne.s32 s0, $0x0;
	s0 =	rddreg [dreg:$0x3]  }
0x92: {  	s0 =	sadd.s32 @!p0 $0x100000, s0  }
0x93: {  	[sflag:s0] =	ssyncadd.tile.s32 @!p0 $0x1;
	_ =	shalt  }
.Lfunc_end2:
_tile_overlayer_lowered:
.L_overlay_start_2:
0x94: {  	(tag) =	ssettag $0x2  }
0x95: {  	s0 =	rddreg [dreg:$0x0];
	s2 =	stileid.u32  }
0x96: {  	s1 =	rddreg [dreg:$0x1];
	p0 =	sne.s32 s2, $0x0  }
0x97: {  	s3 =	rddreg [dreg:$0x2];
	[bflag:$0x3] =	sbarrier.arrive $0xFFFF;
	s2 =	simm.s32 @!p0 $0x1C09  }
0x98: {  	[timem:s3], [sflag:s2] =	dma.local @!p0 [hbm:s0], s1  }
0x99: {  	s0 =	simm.s32 @!p0 $0x9  }
0x9a: {  	_ =	swait.ge @!p0 [sflag:s0], s1  }
0x9b: {  	s1 =	ssub.s32 @!p0 $0x0, s1;
	[sflag:s0] =	ssyncset.done @!p0 $0x0  }
0x9c: {  	[sflag:s0] =	ssyncadd.s32 @!p0 s1  }
0x9d: {  	[bflag:$0x3] =	sbarrier.arrive $0xFFFF  }
0x9e: {  	_ =	shalt  }

</sc_bundles>
